<compile_context>
chip_gen: v7x
topology: tpu7x:2x2x1
jax: 0.10.2.dev20260603
libtpu: 0.0.44.dev20260713+nightly
codegen_flags: <defaults>
</compile_context>

<pallas_src>
import functools

import jax
import jax.numpy as jnp
from jax import lax
from jax.experimental import pallas as pl
from jax.experimental.pallas import tpu as pltpu
from jax.experimental.pallas import tpu_sc as plsc


def _make_sc_gather_t(D, V, B):
    info = plsc.get_sparse_core_info()
    NC, NS, L = info.num_cores, info.num_subcores, info.num_lanes
    NW = NC * NS
    assert D % NW == 0
    rows_per_w = D // NW
    B_CH = 8192 if B % 8192 == 0 else B
    n_ch = B // B_CH
    mesh = plsc.VectorSubcoreMesh(core_axis_name="c", subcore_axis_name="s")

    @functools.partial(
        pl.kernel,
        mesh=mesh,
        out_type=jax.ShapeDtypeStruct((D, B), jnp.float32),
        scratch_types=[
            pltpu.VMEM((V,), jnp.float32),
            pltpu.VMEM((B,), jnp.int32),
            pltpu.VMEM((B_CH,), jnp.float32),
        ],
        compiler_params=pltpu.CompilerParams(needs_layout_passes=False),
    )
    def gather_k(tbl_hbm, idx_hbm, out_hbm, row_v, idx_v, out_v0):
        wid = lax.axis_index("s") * NC + lax.axis_index("c")
        pltpu.sync_copy(idx_hbm, idx_v)

        def row_body(rr, carry):
            d = wid * rows_per_w + rr
            pltpu.sync_copy(tbl_hbm.at[d], row_v)

            def ch_body(c, carry2):
                base = c * B_CH

                @plsc.parallel_loop(0, B_CH, L, unroll=8)
                def body(j):
                    idxs = idx_v[pl.ds(base + j, L)]
                    out_v0[pl.ds(j, L)] = plsc.load_gather(row_v, [idxs])

                pltpu.sync_copy(out_v0, out_hbm.at[d, pl.ds(base, B_CH)])
                return carry2

            lax.fori_loop(0, n_ch, ch_body, 0)
            return carry

        lax.fori_loop(0, rows_per_w, row_body, 0)

    return gather_k


def _proj_t_body(w_ref, e_ref, b_ref, o_ref):
    o_ref[...] = (
        lax.dot_general(
            w_ref[...],
            e_ref[...],
            (((0,), (0,)), ((), ())),
            preferred_element_type=jnp.float32,
        )
        + b_ref[...]
    )


def _make_tc_proj_t(D, B, blk):
    return pl.pallas_call(
        _proj_t_body,
        grid=(B // blk,),
        in_specs=[
            pl.BlockSpec((D, D), lambda i: (0, 0)),
            pl.BlockSpec((D, blk), lambda i: (0, i)),
            pl.BlockSpec((D, 1), lambda i: (0, 0)),
        ],
        out_specs=pl.BlockSpec((D, blk), lambda i: (0, i)),
        out_shape=jax.ShapeDtypeStruct((D, B), jnp.float32),
    )


def kernel(y, embed_table, W, b):
    V, D = embed_table.shape
    B = y.shape[0]
    tbl_t = embed_table.T
    e_t = _make_sc_gather_t(D, V, B)(tbl_t, y.astype(jnp.int32))
    out_t = _make_tc_proj_t(D, B, blk=8192)(W, e_t, b.reshape(D, 1))
    return out_t.T

# --- scband reference (transcript-rebuilt; emitter-appended) ---
"""Pipeline reference for scband-class-embedding-69526930587767 (READ-ONLY COPY).

The authoritative reference and input builder live on the scoring server;
editing this copy changes nothing except your own understanding.
"""

import jax, jax.numpy as jnp
import numpy as np

NUM_CLASSES = 100000
DIM = 64
BATCH = 16384

def setup_inputs(seed: int = 0) -> dict:
    key = jax.random.key(seed)
    k1, k2, k3, k4 = jax.random.split(key, 4)
    y = jax.random.randint(k1, (BATCH,), 0, NUM_CLASSES, dtype=jnp.int64 if jax.config.jax_enable_x64 else jnp.int32)
    embed_table = jax.random.normal(k2, (NUM_CLASSES, DIM), dtype=jnp.float32)
    W = jax.random.normal(k3, (DIM, DIM), dtype=jnp.float32) * (1.0 / np.sqrt(DIM))
    b = jax.random.normal(k4, (DIM,), dtype=jnp.float32) * 0.01
    return {"y": y, "embed_table": embed_table, "W": W, "b": b}

def reference(y, embed_table, W, b):
    # nn.Embedding lookup
    e = jnp.take(embed_table, y, axis=0)  # [B, DIM]
    # nn.Linear: x @ W^T + b (W stored as [out, in] in torch; here W is [in,out]-style square, use x @ W + b)
    out = e @ W + b
    return out

if __name__ == "__main__":
    import jax
    _d = setup_inputs()
    print(jax.jit(kernel)(*tuple(_d.values())))

</pallas_src>

<mosaic_0001>
#map = affine_map<(d0, d1) -> (0, 0)>
#map1 = affine_map<(d0, d1) -> (0)>
module attributes {stable_mosaic.version = 14 : i64} {
  func.func @gather_k(%arg0: i32, %arg1: i32, %arg2: memref<64x100000xf32, #tpu.memory_space<hbm>>, %arg3: memref<16384xi32, #tpu.memory_space<hbm>>, %arg4: memref<64x16384xf32, #tpu.memory_space<hbm>>, %arg5: memref<100000xf32, #tpu.memory_space<vmem>>, %arg6: memref<16384xi32, #tpu.memory_space<vmem>>, %arg7: memref<8192xf32, #tpu.memory_space<vmem>>) attributes {dimension_semantics = [#tpu.dimension_semantics<core_parallel>, #tpu.dimension_semantics<subcore_parallel>], iteration_bounds = array<i64: 2, 16>, scalar_prefetch = 0 : i64, scratch_operands = 3 : i64, tpu.core_type = #tpu.core_type<sc_vector_subcore>, window_params = [{transform_indices = #map}, {transform_indices = #map1}, {transform_indices = #map}]} {
    %mul3A = arith.constant 2 : i32
    %mul3A_0 = arith.muli %arg1, %mul3A : i32
    %add3A = arith.addi %mul3A_0, %arg0 : i32
    "tpu.region"() ({
      %run_scoped3A = tpu.sem_alloc : memref<!tpu.dma_semaphore, #tpu.memory_space<semaphore_mem>>
      tpu.enqueue_dma source(%arg3 : memref<16384xi32, #tpu.memory_space<hbm>>) target(%arg6 : memref<16384xi32, #tpu.memory_space<vmem>>) target_semaphore(%run_scoped3A : memref<!tpu.dma_semaphore, #tpu.memory_space<semaphore_mem>>)
      tpu.wait_dma2 semaphore(%run_scoped3A : memref<!tpu.dma_semaphore, #tpu.memory_space<semaphore_mem>>) src(%arg3 : memref<16384xi32, #tpu.memory_space<hbm>>) dst(%arg6 : memref<16384xi32, #tpu.memory_space<vmem>>)
      tpu.yield
    }) : () -> ()
    %scan3A = arith.constant 0 : i32
    %scan3A_1 = arith.constant 0 : i32
    %scan3A_2 = arith.constant 2 : i32
    %scan3A_3 = arith.addi %scan3A_1, %scan3A_2 : i32
    %scan3A_4 = arith.constant 1 : i32
    scf.for %scan3A_6 = %scan3A_1 to %scan3A_3 step %scan3A_4  : i32 {
      %mul3A_7 = arith.constant 2 : i32
      %mul3A_8 = arith.muli %add3A, %mul3A_7 : i32
      %add3A_9 = arith.addi %mul3A_8, %scan3A_6 : i32
      "tpu.region"() ({
        %run_scoped3A = tpu.sem_alloc : memref<!tpu.dma_semaphore, #tpu.memory_space<semaphore_mem>>
        %dma_start3A = arith.constant 0 : i32
        %dma_start3A_16 = tpu.memref_slice %arg2[%add3A_9, %dma_start3A] : memref<64x100000xf32, #tpu.memory_space<hbm>> -> memref<1x100000xf32, #tpu.memory_space<hbm>>
        %dma_start3A_17 = tpu.memref_squeeze %dma_start3A_16 : memref<1x100000xf32, #tpu.memory_space<hbm>> -> memref<100000xf32, #tpu.memory_space<hbm>>
        %dma_start3A_18 = arith.constant 0 : i32
        %dma_start3A_19 = tpu.memref_slice %arg2[%add3A_9, %dma_start3A_18] : memref<64x100000xf32, #tpu.memory_space<hbm>> -> memref<1x100000xf32, #tpu.memory_space<hbm>>
        %dma_start3A_20 = tpu.memref_squeeze %dma_start3A_19 : memref<1x100000xf32, #tpu.memory_space<hbm>> -> memref<100000xf32, #tpu.memory_space<hbm>>
        tpu.enqueue_dma source(%dma_start3A_20 : memref<100000xf32, #tpu.memory_space<hbm>>) target(%arg5 : memref<100000xf32, #tpu.memory_space<vmem>>) target_semaphore(%run_scoped3A : memref<!tpu.dma_semaphore, #tpu.memory_space<semaphore_mem>>)
        %dma_wait3A = arith.constant 0 : i32
        %dma_wait3A_21 = tpu.memref_slice %arg2[%add3A_9, %dma_wait3A] : memref<64x100000xf32, #tpu.memory_space<hbm>> -> memref<1x100000xf32, #tpu.memory_space<hbm>>
        %dma_wait3A_22 = tpu.memref_squeeze %dma_wait3A_21 : memref<1x100000xf32, #tpu.memory_space<hbm>> -> memref<100000xf32, #tpu.memory_space<hbm>>
        %dma_wait3A_23 = arith.constant 0 : i32
        %dma_wait3A_24 = tpu.memref_slice %arg2[%add3A_9, %dma_wait3A_23] : memref<64x100000xf32, #tpu.memory_space<hbm>> -> memref<1x100000xf32, #tpu.memory_space<hbm>>
        %dma_wait3A_25 = tpu.memref_squeeze %dma_wait3A_24 : memref<1x100000xf32, #tpu.memory_space<hbm>> -> memref<100000xf32, #tpu.memory_space<hbm>>
        tpu.wait_dma2 semaphore(%run_scoped3A : memref<!tpu.dma_semaphore, #tpu.memory_space<semaphore_mem>>) src(%dma_wait3A_25 : memref<100000xf32, #tpu.memory_space<hbm>>) dst(%arg5 : memref<100000xf32, #tpu.memory_space<vmem>>)
        tpu.yield
      }) : () -> ()
      %scan3A_10 = arith.constant 0 : i32
      %scan3A_11 = arith.constant 0 : i32
      %scan3A_12 = arith.constant 2 : i32
      %scan3A_13 = arith.addi %scan3A_11, %scan3A_12 : i32
      %scan3A_14 = arith.constant 1 : i32
      scf.for %scan3A_16 = %scan3A_11 to %scan3A_13 step %scan3A_14  : i32 {
        %mul3A_17 = arith.constant 8192 : i32
        %mul3A_18 = arith.muli %scan3A_16, %mul3A_17 : i32
        %parallel_loop3A = arith.constant 0 : i32
        %parallel_loop3A_19 = arith.constant 8192 : i32
        %parallel_loop3A_20 = arith.constant 16 : i32
        scf.for %parallel_loop3A_21 = %parallel_loop3A to %parallel_loop3A_19 step %parallel_loop3A_20  : i32 {
          %parallel_loop3A_22 = arith.addi %mul3A_18, %parallel_loop3A_21 : i32
          %parallel_loop3A_23 = arith.index_cast %parallel_loop3A_22 : i32 to index
          %parallel_loop3A_24 = tpu.vector_load %arg6[%parallel_loop3A_23] {strides = array<i32>} : memref<16384xi32, #tpu.memory_space<vmem>>, vector<16xi32>,
          %parallel_loop3A_25 = tpu.vector_load_idx %arg5[%parallel_loop3A_24] : memref<100000xf32, #tpu.memory_space<vmem>>[vector<16xi32>], vector<16xf32>,
          %parallel_loop3A_26 = arith.index_cast %parallel_loop3A_21 : i32 to index
          %parallel_loop3A_27 = tpu.vector_load %arg7[%parallel_loop3A_26] {strides = array<i32>} : memref<8192xf32, #tpu.memory_space<vmem>>, vector<16xf32>,
          tpu.vector_store %arg7[%parallel_loop3A_26], %parallel_loop3A_25 {strides = array<i32>} : memref<8192xf32, #tpu.memory_space<vmem>>, vector<16xf32>,
        } {sc.loop_unroll_factor = 8 : i64, sc.parallel_access}
        "tpu.region"() ({
          %run_scoped3A = tpu.sem_alloc : memref<!tpu.dma_semaphore, #tpu.memory_space<semaphore_mem>>
          %dma_start3A = tpu.memref_slice %arg4[%add3A_9, %mul3A_18] : memref<64x16384xf32, #tpu.memory_space<hbm>> -> memref<1x8192xf32, #tpu.memory_space<hbm>>
          %dma_start3A_21 = tpu.memref_squeeze %dma_start3A : memref<1x8192xf32, #tpu.memory_space<hbm>> -> memref<8192xf32, #tpu.memory_space<hbm>>
          %dma_start3A_22 = tpu.memref_slice %arg4[%add3A_9, %mul3A_18] : memref<64x16384xf32, #tpu.memory_space<hbm>> -> memref<1x8192xf32, #tpu.memory_space<hbm>>
          %dma_start3A_23 = tpu.memref_squeeze %dma_start3A_22 : memref<1x8192xf32, #tpu.memory_space<hbm>> -> memref<8192xf32, #tpu.memory_space<hbm>>
          tpu.enqueue_dma source(%arg7 : memref<8192xf32, #tpu.memory_space<vmem>>) target(%dma_start3A_23 : memref<8192xf32, #tpu.memory_space<hbm>>) target_semaphore(%run_scoped3A : memref<!tpu.dma_semaphore, #tpu.memory_space<semaphore_mem>>)
          %dma_wait3A = tpu.memref_slice %arg4[%add3A_9, %mul3A_18] : memref<64x16384xf32, #tpu.memory_space<hbm>> -> memref<1x8192xf32, #tpu.memory_space<hbm>>
          %dma_wait3A_24 = tpu.memref_squeeze %dma_wait3A : memref<1x8192xf32, #tpu.memory_space<hbm>> -> memref<8192xf32, #tpu.memory_space<hbm>>
          %dma_wait3A_25 = tpu.memref_slice %arg4[%add3A_9, %mul3A_18] : memref<64x16384xf32, #tpu.memory_space<hbm>> -> memref<1x8192xf32, #tpu.memory_space<hbm>>
          %dma_wait3A_26 = tpu.memref_squeeze %dma_wait3A_25 : memref<1x8192xf32, #tpu.memory_space<hbm>> -> memref<8192xf32, #tpu.memory_space<hbm>>
          tpu.wait_dma2 semaphore(%run_scoped3A : memref<!tpu.dma_semaphore, #tpu.memory_space<semaphore_mem>>) src(%arg7 : memref<8192xf32, #tpu.memory_space<vmem>>) dst(%dma_wait3A_26 : memref<8192xf32, #tpu.memory_space<hbm>>)
          tpu.yield
        }) : () -> ()
      }
      %scan3A_15 = arith.constant 2 : i32
    }
    %scan3A_5 = arith.constant 2 : i32
    return
  }
}

module attributes {stable_mosaic.version = 14 : i64} {
  func.func @_proj_t_body(%arg0: i32, %arg1: memref<64x64xf32, #tpu.memory_space<vmem>>, %arg2: memref<64x8192xf32, #tpu.memory_space<vmem>>, %arg3: memref<64x1xf32, #tpu.memory_space<vmem>>, %arg4: memref<64x8192xf32, #tpu.memory_space<vmem>>) attributes {dimension_semantics = [#tpu.dimension_semantics<arbitrary>], iteration_bounds = array<i64: 2>, scalar_prefetch = 0 : i64, scratch_operands = 0 : i64, tpu.core_type = #tpu.core_type<tc>, window_params = [{pipeline_mode = #tpu.pipeline_mode<synchronous>, transform_indices = @transform_0, window_bounds = array<i64: 64, 64>}, {transform_indices = @transform_1, window_bounds = array<i64: 64, 8192>}, {pipeline_mode = #tpu.pipeline_mode<synchronous>, transform_indices = @transform_2, window_bounds = array<i64: 64, 1>}, {transform_indices = @transform_3, window_bounds = array<i64: 64, 8192>}]} {
    %get3A = arith.constant 0 : index
    %get3A_0 = arith.constant 0 : index
    %get3A_1 = vector.load %arg1[%get3A, %get3A_0] : memref<64x64xf32, #tpu.memory_space<vmem>>, vector<64x64xf32>
    %get3A_2 = arith.constant 0 : index
    %get3A_3 = arith.constant 0 : index
    %get3A_4 = vector.load %arg2[%get3A_2, %get3A_3] : memref<64x8192xf32, #tpu.memory_space<vmem>>, vector<64x8192xf32>
    %dot_general3A = arith.constant dense<0.000000e+00> : vector<64x8192xf32>
    %dot_general3A_5 = tpu.matmul %get3A_1, %get3A_4, %dot_general3A {dimension_numbers = #tpu.dot_dimension_numbers<[0], [0], [1], [1], [0, 1, 1, 1], [], []>, transpose_lhs_hint = false} : vector<64x64xf32>, vector<64x8192xf32>, vector<64x8192xf32> -> vector<64x8192xf32>
    %get3A_6 = arith.constant 0 : index
    %get3A_7 = arith.constant 0 : index
    %get3A_8 = vector.load %arg3[%get3A_6, %get3A_7] : memref<64x1xf32, #tpu.memory_space<vmem>>, vector<64x1xf32>
    %add3A = vector.broadcast %get3A_8 : vector<64x1xf32> to vector<64x8192xf32>
    %add3A_9 = arith.addf %dot_general3A_5, %add3A : vector<64x8192xf32>
    %swap3A = arith.constant 0 : index
    %swap3A_10 = arith.constant 0 : index
    %swap3A_11 = vector.load %arg4[%swap3A, %swap3A_10] : memref<64x8192xf32, #tpu.memory_space<vmem>>, vector<64x8192xf32>
    tpu.vector_store %arg4[%swap3A, %swap3A_10], %add3A_9 {strides = array<i32>} : memref<64x8192xf32, #tpu.memory_space<vmem>>, vector<64x8192xf32>,
    return
  }
  func.func @transform_0(%arg0: i32) -> (i32, i32) {
    %c0_i32 = arith.constant 0 : i32
    %c0_i32_0 = arith.constant 0 : i32
    %c0_i32_1 = arith.constant 0 : i32
    return %c0_i32, %c0_i32_0 : i32, i32
  }
  func.func @transform_1(%arg0: i32) -> (i32, i32) {
    %c0_i32 = arith.constant 0 : i32
    %c0_i32_0 = arith.constant 0 : i32
    return %c0_i32, %arg0 : i32, i32
  }
  func.func @transform_2(%arg0: i32) -> (i32, i32) {
    %c0_i32 = arith.constant 0 : i32
    %c0_i32_0 = arith.constant 0 : i32
    %c0_i32_1 = arith.constant 0 : i32
    return %c0_i32, %c0_i32_0 : i32, i32
  }
  func.func @transform_3(%arg0: i32) -> (i32, i32) {
    %c0_i32 = arith.constant 0 : i32
    %c0_i32_0 = arith.constant 0 : i32
    return %c0_i32, %arg0 : i32, i32
  }
}

</mosaic_0001>

<sc_bundles>
// kernel: kernel.4.cloned.1.call-start
scs
__scs_entry_jumppad:
0x0: {  	(pc) =	sbr.rel $0x88, $3  }
0x1: {  	(tag) =	ssettag $0x0;
	lr =	simm.s32 $0x1  }
0x2: {  	[smem:$0x3F9D] =	sst lr;
	_ =	strace $0xD0000000  }
0x3: {  	_ = 	snop  }
0x4: {  	_ = 	snop  }
0x5: {  	_ = 	snop  }
0x6: {  	_ = 	snop  }
0x7: {  	_ = 	snop  }
__scs_overlays_trampoline_lowered:
0x8: {  	[smem:$0x3FAC] =	sst s0  }
0x9: {  	[smem:$0x3FAD] =	sst s1  }
0xa: {  	[smem:$0x3FAE] =	sst s2  }
0xb: {  	[smem:$0x3FAF] =	sst s3  }
0xc: {  	[smem:$0x3FB0] =	sst s4  }
0xd: {  	[smem:$0x3FB1] =	sst s5  }
0xe: {  	[smem:$0x3FB2] =	sst s6  }
0xf: {  	[smem:$0x3FB3] =	sst s7  }
0x10: {  	[smem:$0x3FB4] =	sst s8  }
0x11: {  	[smem:$0x3FB5] =	sst s9;
	s0 =	simm.s32 @!p0 $0x0  }
0x12: {  	s1 =	sld [smem:$0x3F9B];
	s0 =	simm.s32 @p0 $0x1  }
0x13: {  	[smem:$0x3FB6] =	sst s0;
	s0 =	simm.s32 @!p1 $0x0  }
0x14: {  	s2 =	sld [smem:$0x3F9A];
	s0 =	simm.s32 @p1 $0x1  }
0x15: {  	[smem:$0x3FB7] =	sst s0;
	s0 =	simm.s32 @!p2 $0x0  }
0x16: {  	s3 =	sld [smem:$0x3FDB];
	s0 =	simm.s32 @p2 $0x1  }
0x17: {  	s4 =	simm.s32 $0x1BF5;
	[smem:$0x3FB9] =	sst s0  }
0x18: {  	s0 =	sld [smem:$0x3F9C];
	_ =	swait.ge [sflag:s4], $0x0  }
0x19: {  	s7 =	sld [smem:$0x3F9D]  }
0x1a: {  	s8 =	sadd.s32 $0xFFFFE003, lr  }
0x1b: {  	s9 =	sadd.s32 $0xFFFFFEF7, lr;
	s5 =	simm.s32 $0xFFFFFFFF;
	p2 =	slt.u32 s8, $0xFFFFF086  }
0x1c: {  	p1 =	slt.u32 s9, $0xF7A;
	s5 =	simm.s32 @!p2 $0x0  }
0x1d: {  	s5 =	simm.s32 @p1 $0x1;
	p0 =	seq.s32 s7, s2  }
0x1e: {  	s7 =	smul.u32 @!p0 $0xF7A, s2;
	p2 =	seq.s32 @!p0 s5, $0x0  }
0x1f: {  	s9 =	smul.u32 $0xF7A, s1;
	s8 =	simm.s32 @!p0 $0x1BF5;
	p2 =	por !p2, p0  }
0x20: {  	[sflag:s8] =	ssyncset.s32 @!p0 $0xFFFFF086;
	s6 =	sadd.s32 @!p0 s3, s7;
	s7 =	simm.s32 @!p0 $0x108  }
0x21: {  	s3 =	sadd.s32 s3, s9;
	s6 =	sadd.s32 @!p0 $0x88, s6;
	s7 =	simm.s32 @p2 $0x1082  }
0x22: {  	[simem:s7], [sflag:s8] =	dma.local @!p0 [hbm:s6], $0xF7A  }
0x23: {  	s9 =	sor.u32 $0xD0000000, s2;
	s6 =	simm.s32 $0x108;
	_ =	swait.ge @!p0 [sflag:s8], $0x0  }
0x24: {  	s3 =	sadd.s32 $0x88, s3;
	s6 =	simm.s32 @!p1 $0x1082;
	[sflag:s4] =	ssyncset.s32 $0xFFFFF086  }
0x25: {  	[simem:s6], [sflag:s4] =	dma.local [hbm:s3], $0xF7A  }
0x26: {  	[smem:$0x3F9D] =	sst s1;
	(tag) =	ssettag s2;
	_ =	strace s9  }
0x27: {  	s1 =	sld [smem:$0x3FAD]  }
0x28: {  	s2 =	sld [smem:$0x3FAE]  }
0x29: {  	s4 =	sld [smem:$0x3FB0]  }
0x2a: {  	p0 =	seq.s32 s5, $0x0;
	s5 =	sld [smem:$0x3FB1]  }
0x2b: {  	s6 =	sld [smem:$0x3FB2]  }
0x2c: {  	s7 =	sld [smem:$0x3FB3]  }
0x2d: {  	s3 =	simm.s32 $0x108;
	s8 =	sld [smem:$0x3FB4]  }
0x2e: {  	s3 =	simm.s32 @!p0 $0x1082;
	s9 =	sld [smem:$0x3FB5]  }
0x2f: {  	lr =	sadd.s32 s0, s3;
	s0 =	sld [smem:$0x3FAC]  }
0x30: {  	s3 =	sld [smem:$0x3FAF]  }
0x31: {  	[smem:$0x3FB8] =	sst s10  }
0x32: {  	s10 =	sld [smem:$0x3FB6];
	_ =	sdelay $0x3  }
0x33: {  	p0 =	seq.s32 s10, $0x1;
	s10 =	sld [smem:$0x3FB8];
	_ =	sdelay $0x3  }
0x34: {  	[smem:$0x3FB8] =	sst s10  }
0x35: {  	s10 =	sld [smem:$0x3FB7];
	_ =	sdelay $0x3  }
0x36: {  	p1 =	seq.s32 s10, $0x1;
	s10 =	sld [smem:$0x3FB8];
	_ =	sdelay $0x3  }
0x37: {  	[smem:$0x3FB8] =	sst s10  }
0x38: {  	s10 =	sld [smem:$0x3FB9]  }
0x39: {  	_ = 	snop;
	(pc) =	sbr.ind lr, $3  }
0x3a: {  	_ = 	snop  }
0x3b: {  	_ = 	snop  }
0x3c: {  	p2 =	seq.s32 s10, $0x1;
	s10 =	sld [smem:$0x3FB8]  }
0x3d: {  	_ =	shalt  }
0x3e: {  	_ =	shalt  }
0x3f: {  	_ =	shalt  }
0x40: {  	_ =	shalt  }
0x41: {  	_ =	shalt  }
0x42: {  	_ =	shalt  }
0x43: {  	_ =	shalt  }
0x44: {  	_ =	shalt  }
0x45: {  	_ =	shalt  }
0x46: {  	_ =	shalt  }
0x47: {  	_ =	shalt  }
0x48: {  	_ =	shalt  }
0x49: {  	_ =	shalt  }
0x4a: {  	_ =	shalt  }
0x4b: {  	_ =	shalt  }
0x4c: {  	_ =	shalt  }
0x4d: {  	_ =	shalt  }
0x4e: {  	_ =	shalt  }
0x4f: {  	_ =	shalt  }
0x50: {  	_ =	shalt  }
0x51: {  	_ =	shalt  }
0x52: {  	_ =	shalt  }
0x53: {  	_ =	shalt  }
0x54: {  	_ =	shalt  }
0x55: {  	_ =	shalt  }
0x56: {  	_ =	shalt  }
0x57: {  	_ =	shalt  }
0x58: {  	_ =	shalt  }
0x59: {  	_ =	shalt  }
0x5a: {  	_ =	shalt  }
0x5b: {  	_ =	shalt  }
0x5c: {  	_ =	shalt  }
0x5d: {  	_ =	shalt  }
0x5e: {  	_ =	shalt  }
0x5f: {  	_ =	shalt  }
0x60: {  	_ =	shalt  }
0x61: {  	_ =	shalt  }
0x62: {  	_ =	shalt  }
0x63: {  	_ =	shalt  }
0x64: {  	_ =	shalt  }
0x65: {  	_ =	shalt  }
0x66: {  	_ =	shalt  }
0x67: {  	_ =	shalt  }
0x68: {  	_ =	shalt  }
0x69: {  	_ =	shalt  }
0x6a: {  	_ =	shalt  }
0x6b: {  	_ =	shalt  }
0x6c: {  	_ =	shalt  }
0x6d: {  	_ =	shalt  }
0x6e: {  	_ =	shalt  }
0x6f: {  	_ =	shalt  }
0x70: {  	_ =	shalt  }
0x71: {  	_ =	shalt  }
0x72: {  	_ =	shalt  }
0x73: {  	_ =	shalt  }
0x74: {  	_ =	shalt  }
0x75: {  	_ =	shalt  }
0x76: {  	_ =	shalt  }
0x77: {  	_ =	shalt  }
0x78: {  	_ =	shalt  }
0x79: {  	_ =	shalt  }
0x7a: {  	_ =	shalt  }
0x7b: {  	_ =	shalt  }
0x7c: {  	_ =	shalt  }
0x7d: {  	_ =	shalt  }
0x7e: {  	_ =	shalt  }
0x7f: {  	_ =	shalt  }
0x80: {  	_ =	shalt  }
0x81: {  	_ =	shalt  }
0x82: {  	_ =	shalt  }
0x83: {  	_ =	shalt  }
0x84: {  	_ =	shalt  }
0x85: {  	_ =	shalt  }
0x86: {  	_ =	shalt  }
0x87: {  	_ =	shalt  }
.Lfunc_end0:
.L_simem_size_0:
called_computation_lowered:
.L_overlay_start_0:
0x88: {  	s2 =	sld [smem:$0x3FD9]  }
0x89: {  	s3 =	sld [smem:$0x3FFE];
	_ =	sdelay $0x1  }
0x8a: {  	s1 =	srdreg.scid  }
0x8b: {  	s0 =	sand.u32 $0x1, s1  }
0x8c: {  	s18 =	sshll.u32 s0, $0xA;
	s2 =	sadd.s32 s3, s2  }
0x8d: {  	s2 =	sadd.s32 s2, s18  }
0x8e: {  	[smem:$0x3FC4] =	sst s2  }
0x8f: {  	_ = 	snop  }
0x90: {  	s2 =	sld [smem:$0x3FC9]  }
0x91: {  	s19 =	sld [smem:$0x3FC8]  }
0x92: {  	s4 =	sld [smem:$0x3FD0];
	(tm) =	ssettm $0x1  }
0x93: {  	s5 =	sld [smem:$0x3FFB];
	_ =	sdelay $0x3  }
0x94: {  	_ =	strace s5  }
0x95: {  	s5 =	sld [smem:$0x3FFC];
	_ =	sdelay $0x3  }
0x96: {  	_ =	strace s5  }
0x97: {  	s5 =	sld [smem:$0x3FFD];
	_ =	sdelay $0x3  }
0x98: {  	_ =	strace s5  }
0x99: {  	_ =	strace $0x8FFFFFFF  }
0x9a: {  	s20 =	sld [smem:$0x3FDB];
	_ =	sdelay $0x1  }
0x9b: {  	s6 =	simm.s32 $_scs_section_size  }
0x9c: {  	s7 =	simm.s32 $_size__tile_overlayer_lowered;
	s8 =	simm.s32 $_tile_overlayer_lowered  }
0x9d: {  	s23 =	simm.s32 $0x1BFF;
	s22 =	sshll.u32 s8, $0x1;
	s5 =	sadd.s32 s6, s20  }
0x9e: {  	s9 =	simm.s32 $0x0;
	s21 =	sshll.u32 s7, $0x1;
	s7 =	sadd.s32 s22, s5  }
0x9f: {  	[timem:s9], [sflag:s23] =	dma.local [hbm:s7], s21  }
0xa0: {  	_ =	swait.ge [sflag:s23], s21  }
0xa1: {  	s6 =	ssub.s32 $0x0, s21;
	[sflag:s23] =	ssyncset.done $0x0  }
0xa2: {  	[sflag:s23] =	ssyncadd.s32 s6;
	_ =	sdelay $0x1  }
0xa3: {  	s24 =	simm.s32 $0x1B8B  }
0xa4: {  	_ =	swait.ge [sflag:s24], $0x1  }
0xa5: {  	[sflag:s24] =	ssyncset.done $0x0  }
0xa6: {  	s25 =	simm.s32 $0x1B8E;
	[sflag:s24] =	ssyncadd.s32 $0xFFFFFFFF  }
0xa7: {  	s26 =	simm.s32 $execute0_lowered;
	[smem:$0x3FD2] =	sst s25  }
0xa8: {  	s6 =	sshll.u32 s26, $0x1;
	_ =	strace $0x80000046;
	[dreg:$0x1] =	wrdreg $0xFFFFFFFF  }
0xa9: {  	s28 =	simm.s32 $_size_execute0_lowered;
	s5 =	sadd.s32 s5, s6;
	[dreg:$0x0] =	wrdreg $0x0  }
0xaa: {  	s6 =	sshll.u32 s28, $0x1;
	[dreg:$0x2] =	wrdreg s5  }
0xab: {  	[dreg:$0x3] =	wrdreg s6  }
0xac: {  	[dreg:$0x4] =	wrdreg $0xC0  }
0xad: {  	_ =	task [dreg:s9], $0x5FFFF  }
0xae: {  	[dreg:$0x1] =	wrdreg $0xFFFFFFFF  }
0xaf: {  	[dreg:$0x0] =	wrdreg $0x60  }
0xb0: {  	[dreg:$0x2] =	wrdreg s19  }
0xb1: {  	[dreg:$0x3] =	wrdreg s2  }
0xb2: {  	[dreg:$0x4] =	wrdreg s4  }
0xb3: {  	[dreg:$0x5] =	wrdreg $0x9  }
0xb4: {  	_ =	task.clear_ibuf [dreg:s9], $0x6FFFF;
	_ =	strace $0x90000046  }
0xb5: {  	s29 =	simm.s32 $0x9;
	_ =	strace $0x80000048  }
0xb6: {  	_ =	swait.ge [sflag:s29], $0x1  }
0xb7: {  	[sflag:s29] =	ssyncadd.s32 $0xFFFFFFFF  }
0xb8: {  	_ =	strace $0x90000048  }
0xb9: {  	_ =	sfence  }
0xba: {  	s30 =	sld [smem:$0x0];
	_ =	sdelay $0x2  }
0xbb: {  	s31 =	sshll.u32 s1, $0xD;
	s1 =	sshrl.u32 s1, $0x2  }
0xbc: {  	s3 =	sand.u32 $0x4000, s31;
	s1 =	sadd.s32 s1, s30  }
0xbd: {  	s0 =	sor.u32 s3, s0;
	s1 =	sshll.u32 s1, $0x11  }
0xbe: {  	s0 =	sor.u32 s1, s0  }
0xbf: {  	s0 =	sadd.s32 $0x8F2B, s0  }
0xc0: {  	[sflag:s0] =	ssyncadd.remote.s32 $0x1  }
0xc1: {  	_ =	sfence.sel $0xFFFF  }
0xc2: {  	[dreg:$0x0] =	wrdreg $0xFFFFFFFF;
	(pc) =	sbr.abs _section_cstart, $3  }
0xc3: {  	[dreg:$0x1] =	wrdreg $0xFFFFFFFF  }
0xc4: {  	_ =	task.clear_ibuf [dreg:s9], $0x2FFFF;
	_ =	strace $0x9FFFFFFF  }
0xc5: {  	(tm) =	ssettm $0x7FFFFFFF  }
tec
execute0_lowered:
.L_overlay_start_1:
0x0: {  	(tag) =	ssettag $0x1  }
0x1: {  	s1 =	rddreg [dreg:$0x0]  }
0x2: {  	s2 =	rddreg [dreg:$0x1]  }
0x3: {  	s3 =	rddreg [dreg:$0x2]  }
0x4: {  	s5 =	srdreg.scid;
	s0 =	rddreg [dreg:$0x3];
	s4 =	simm.s32 $0x0  }
0x5: {  	s12 =	simm.s32 $0x80;
	s13 =	simm.s32 $0x400;
	s14 =	simm.s32 $0x1C700  }
0x6: {  	s15 =	simm.s32 $0x0;
	s6 =	sand.u32 $0x1, s5;
	[smem:$0x7FF] =	sst s4  }
0x7: {  	s5 =	stileid.u32;
	s7 =	ssub.s32 $0x2, s6;
	_ =	strace $0x80000047  }
0x8: {  	s31 =	sshll.u32 s5, $0x9;
	s9 =	sshrl.u32 s5, $0x1;
	s10 =	sshll.u32 s6, $0x8  }
0x9: {  	s8 =	sshrl.u32 s7, $0x1;
	s6 =	smul.u32 $0xC3800, s9;
	s11 =	sand.u32 $0x200, s31  }
0xa: {  	s8 =	ssub.s32 s7, s8;
	s7 =	sshll.u32 s9, $0x11;
	s9 =	sor.u32 s10, s11  }
0xb: {  	s10 =	simm.s32 $0x18700;
	s11 =	simm.s32 $0x1;
	s8 =	smax.u32 s8, $0x1  }
.LBB2_1:
0xc: {  	[tilespmem:s10], [sflag:$0x1] =	stream.linear.gather [hbm4b:s2+s4], $0x4000, $0x38;
	[tilespmem:$0x1E700] =	vst v63  }
0xd: {  	_ =	swait.ge [sflag:s11], $0x4000  }
0xe: {  	[sflag:s11] =	ssyncset.done $0x0  }
0xf: {  	p1 =	por $0x1, $0x1;
	s16 =	simm.s32 $0x0;
	[sflag:s11] =	ssyncadd.s32 $0xFFFFC000  }
.LBB2_2:
0x10: {  	s16 =	sor.u32 s9, s16  }
0x11: {  	s17 =	sor.u32 s6, s16  }
0x12: {  	s17 =	sshrl.u32 s17, $0x3  }
0x13: {  	s17 =	sadd.s32 s1, s17  }
0x14: {  	[tilespmem:s4], [sflag:$0x1] =	stream.strided.gather [hbm4b:s17+s12], $0x18700, s13, s12, $0x38;
	[tilespmem:$0x1E700] =	vst v63  }
0x15: {  	_ =	swait.ge [sflag:s11], $0x18700  }
0x16: {  	[sflag:s11] =	ssyncset.done $0x0  }
0x17: {  	s31 =	simm.s32 $0x18740;
	[sflag:s11] =	ssyncadd.s32 $0xFFFE7900  }
0x18: {  	v0 =	vld [tilespmem:s31+$0x30]  }
0x19: {  	v1 =	vld [tilespmem:s31+$0xFFFFFFD0]  }
0x1a: {  	v2 =	vld [tilespmem:s31+$0xFFFFFFE0]  }
0x1b: {  	v3 =	vld [tilespmem:s31+$0xFFFFFFF0]  }
0x1c: {  	v5 =	vld [tilespmem:s31+$0x0]  }
0x1d: {  	v6 =	vld [tilespmem:s31+$0x10]  }
0x1e: {  	v7 =	vld [tilespmem:s31+$0x20]  }
0x1f: {  	v8 =	vld [tilespmem:s31+$0xFFFFFFC0]  }
0x20: {  	v9 =	vld.idx.msk [tilespmem:v0+s4+$0x0], $0xffff  }
0x21: {  	v10 =	vld.idx.msk [tilespmem:v1+s4+$0x0], $0xffff  }
0x22: {  	v4 =	vld.idx.msk [tilespmem:v2+s4+$0x0], $0xffff  }
0x23: {  	v3 =	vld.idx.msk [tilespmem:v3+s4+$0x0], $0xffff  }
0x24: {  	v0 =	vld.idx.msk [tilespmem:v5+s4+$0x0], $0xffff  }
0x25: {  	s17 =	simm.s32 $0x1C740;
	v1 =	vld.idx.msk [tilespmem:v6+s4+$0x0], $0xffff  }
0x26: {  	p0 =	por p1, p1;
	v2 =	vld.idx.msk [tilespmem:v7+s4+$0x0], $0xffff;
	[tilespmem:s17+$0x30] =	vst v9  }
0x27: {  	s18 =	simm.s32 $0x0;
	s19 =	simm.s32 $0x187C0;
	s16 =	sor.u32 s16, s7;
	v5 =	vld.idx.msk [tilespmem:v8+s4+$0x0], $0xffff;
	[tilespmem:s17+$0xFFFFFFD0] =	vst v10  }
.LBB2_3:
0x28: {  	v6 =	vld [tilespmem:s19+$0x30];
	s18 =	sadd.s32 $0x80, s18;
	[tilespmem:s17+$0xFFFFFFE0] =	vst v4  }
0x29: {  	v4 =	vld [tilespmem:s19+$0xFFFFFFD0];
	p1 =	slt.u32 s18, $0x1F80;
	[tilespmem:s17+$0xFFFFFFF0] =	vst v3  }
0x2a: {  	v3 =	vld [tilespmem:s19+$0xFFFFFFE0];
	[tilespmem:s17+$0x0] =	vst v0  }
0x2b: {  	v0 =	vld [tilespmem:s19+$0xFFFFFFF0];
	[tilespmem:s17+$0x10] =	vst v1  }
0x2c: {  	v1 =	vld [tilespmem:s19+$0x0];
	[tilespmem:s17+$0x20] =	vst v2  }
0x2d: {  	v2 =	vld [tilespmem:s19+$0x10];
	[tilespmem:s17+$0xFFFFFFC0] =	vst v5  }
0x2e: {  	v5 =	vld [tilespmem:s19+$0x20]  }
0x2f: {  	v7 =	vld [tilespmem:s19+$0xFFFFFFC0]  }
0x30: {  	v6 =	vld.idx.msk [tilespmem:v6+s4+$0x0], $0xffff  }
0x31: {  	v8 =	vld.idx.msk [tilespmem:v4+s4+$0x0], $0xffff  }
0x32: {  	v4 =	vld.idx.msk [tilespmem:v3+s4+$0x0], $0xffff  }
.Ltmp0:
0x33: {  	v3 =	vld.idx.msk [tilespmem:v0+s4+$0x0], $0xffff;
	(pc) =	sbr.rel @p1 .LBB2_3-.Ltmp0, $4  }
0x34: {  	v0 =	vld.idx.msk [tilespmem:v1+s4+$0x0], $0xffff  }
0x35: {  	s17 =	sadd.s32 $0x80, s17;
	v1 =	vld.idx.msk [tilespmem:v2+s4+$0x0], $0xffff  }
0x36: {  	v2 =	vld.idx.msk [tilespmem:v5+s4+$0x0], $0xffff;
	[tilespmem:s17+$0x30] =	vst v6  }
0x37: {  	s19 =	sadd.s32 $0x80, s19;
	v5 =	vld.idx.msk [tilespmem:v7+s4+$0x0], $0xffff;
	[tilespmem:s17+$0xFFFFFFD0] =	vst v8  }
0x38: {  	[tilespmem:s17+$0xFFFFFFE0] =	vst v4  }
0x39: {  	[tilespmem:s17+$0xFFFFFFF0] =	vst v3  }
0x3a: {  	[tilespmem:s17+$0x0] =	vst v0  }
0x3b: {  	[tilespmem:s17+$0x10] =	vst v1  }
0x3c: {  	s16 =	sshrl.u32 s16, $0x3;
	[tilespmem:s17+$0x20] =	vst v2  }
0x3d: {  	s30 =	sadd.s32 s3, s16;
	[tilespmem:s17+$0xFFFFFFC0] =	vst v5  }
0x3e: {  	[hbm4b:s30+s12] =	stream.strided.scatter [tilespmem:s14], [sflag:$0x1], $0x2000, s13, s12, $0x38;
	[tilespmem:$0x1E700] =	vst v63  }
0x3f: {  	_ =	swait.ge [sflag:s11], $0x2000  }
0x40: {  	[sflag:s11] =	ssyncset.done $0x0  }
0x41: {  	s31 =	simm.s32 $0x1A770;
	[sflag:s11] =	ssyncadd.s32 $0xFFFFE000  }
0x42: {  	v0 =	vld [tilespmem:s31+$0x0]  }
0x43: {  	v1 =	vld [tilespmem:s31+$0xFFFFFFA0]  }
0x44: {  	v2 =	vld [tilespmem:s31+$0xFFFFFFB0]  }
0x45: {  	v3 =	vld [tilespmem:s31+$0xFFFFFFC0]  }
0x46: {  	v4 =	vld [tilespmem:s31+$0xFFFFFFD0]  }
0x47: {  	v6 =	vld [tilespmem:s31+$0xFFFFFFE0]  }
0x48: {  	v7 =	vld [tilespmem:s31+$0xFFFFFFF0]  }
0x49: {  	v8 =	vld [tilespmem:s31+$0xFFFFFF90]  }
0x4a: {  	v9 =	vld.idx.msk [tilespmem:v0+s4+$0x0], $0xffff  }
0x4b: {  	v10 =	vld.idx.msk [tilespmem:v1+s4+$0x0], $0xffff  }
0x4c: {  	v5 =	vld.idx.msk [tilespmem:v2+s4+$0x0], $0xffff  }
0x4d: {  	v3 =	vld.idx.msk [tilespmem:v3+s4+$0x0], $0xffff  }
0x4e: {  	v0 =	vld.idx.msk [tilespmem:v4+s4+$0x0], $0xffff  }
0x4f: {  	s17 =	simm.s32 $0x1C740;
	v1 =	vld.idx.msk [tilespmem:v6+s4+$0x0], $0xffff  }
0x50: {  	v2 =	vld.idx.msk [tilespmem:v7+s4+$0x0], $0xffff;
	[tilespmem:s17+$0x30] =	vst v9  }
0x51: {  	s18 =	simm.s32 $0x0;
	s19 =	simm.s32 $0x1A7F0;
	v4 =	vld.idx.msk [tilespmem:v8+s4+$0x0], $0xffff;
	[tilespmem:s17+$0xFFFFFFD0] =	vst v10  }
.LBB2_5:
0x52: {  	v6 =	vld [tilespmem:s19+$0x0];
	s18 =	sadd.s32 $0x80, s18;
	[tilespmem:s17+$0xFFFFFFE0] =	vst v5  }
0x53: {  	v5 =	vld [tilespmem:s19+$0xFFFFFFA0];
	p1 =	slt.u32 s18, $0x1F80;
	[tilespmem:s17+$0xFFFFFFF0] =	vst v3  }
0x54: {  	v3 =	vld [tilespmem:s19+$0xFFFFFFB0];
	[tilespmem:s17+$0x0] =	vst v0  }
0x55: {  	v0 =	vld [tilespmem:s19+$0xFFFFFFC0];
	[tilespmem:s17+$0x10] =	vst v1  }
0x56: {  	v1 =	vld [tilespmem:s19+$0xFFFFFFD0];
	[tilespmem:s17+$0x20] =	vst v2  }
0x57: {  	v2 =	vld [tilespmem:s19+$0xFFFFFFE0];
	[tilespmem:s17+$0xFFFFFFC0] =	vst v4  }
0x58: {  	v4 =	vld [tilespmem:s19+$0xFFFFFFF0]  }
0x59: {  	v7 =	vld [tilespmem:s19+$0xFFFFFF90]  }
0x5a: {  	v6 =	vld.idx.msk [tilespmem:v6+s4+$0x0], $0xffff  }
0x5b: {  	v8 =	vld.idx.msk [tilespmem:v5+s4+$0x0], $0xffff  }
0x5c: {  	v5 =	vld.idx.msk [tilespmem:v3+s4+$0x0], $0xffff  }
.Ltmp1:
0x5d: {  	v3 =	vld.idx.msk [tilespmem:v0+s4+$0x0], $0xffff;
	(pc) =	sbr.rel @p1 .LBB2_5-.Ltmp1, $4  }
0x5e: {  	v0 =	vld.idx.msk [tilespmem:v1+s4+$0x0], $0xffff  }
0x5f: {  	s17 =	sadd.s32 $0x80, s17;
	v1 =	vld.idx.msk [tilespmem:v2+s4+$0x0], $0xffff  }
0x60: {  	v2 =	vld.idx.msk [tilespmem:v4+s4+$0x0], $0xffff;
	[tilespmem:s17+$0x30] =	vst v6  }
0x61: {  	s19 =	sadd.s32 $0x80, s19;
	v4 =	vld.idx.msk [tilespmem:v7+s4+$0x0], $0xffff;
	[tilespmem:s17+$0xFFFFFFD0] =	vst v8  }
0x62: {  	[tilespmem:s17+$0xFFFFFFE0] =	vst v5  }
0x63: {  	[tilespmem:s17+$0xFFFFFFF0] =	vst v3  }
0x64: {  	[tilespmem:s17+$0x0] =	vst v0  }
0x65: {  	[tilespmem:s17+$0x10] =	vst v1  }
0x66: {  	s16 =	sadd.s32 s16, s3;
	[tilespmem:s17+$0x20] =	vst v2  }
.Ltmp2:
0x67: {  	s31 =	sadd.s32 $0x2000, s16;
	s16 =	simm.s32 $0x80;
	[tilespmem:s17+$0xFFFFFFC0] =	vst v4;
	(pc) =	sbr.rel @p0 .LBB2_2-.Ltmp2, $4  }
0x68: {  	[hbm4b:s31+s16] =	stream.strided.scatter [tilespmem:s14], [sflag:$0x1], $0x2000, s13, s16, $0x38;
	[tilespmem:$0x1E700] =	vst v63  }
0x69: {  	_ =	swait.ge [sflag:s11], $0x2000  }
0x6a: {  	[sflag:s11] =	ssyncset.done $0x0  }
0x6b: {  	p1 =	por $0x0, $0x0;
	[sflag:s11] =	ssyncadd.s32 $0xFFFFE000  }
0x6c: {  	s15 =	sadd.s32 $0x1, s15  }
0x6d: {  	p0 =	sne.s32 s15, s8  }
.Ltmp3:
0x6e: {  	_ = 	snop;
	(pc) =	sbr.rel @p0 .LBB2_1-.Ltmp3, $1  }
0x6f: {  	_ =	sdelay $0x3  }
0x70: {  	_ =	sfence.sel $0x180000  }
0x71: {  	[bflag:$0x0] =	sbarrier.arrive $0xFFFF  }
0x72: {  	p0 =	sne.s32 s5, $0x0;
	_ =	strace $0x90000047  }
0x73: {  	s0 =	sadd.s32 @!p0 $0x100000, s0;
	[bflag:$0x2] =	sbarrier.arrive $0xFFFF  }
0x74: {  	[sflag:s0] =	ssyncadd.tile.s32 @!p0 $0x1;
	_ =	shalt  }
.Lfunc_end2:
_tile_overlayer_lowered:
.L_overlay_start_2:
0x75: {  	(tag) =	ssettag $0x2  }
0x76: {  	s0 =	rddreg [dreg:$0x0];
	s2 =	stileid.u32  }
0x77: {  	s1 =	rddreg [dreg:$0x1];
	p0 =	sne.s32 s2, $0x0  }
0x78: {  	s3 =	rddreg [dreg:$0x2];
	[bflag:$0x3] =	sbarrier.arrive $0xFFFF;
	s2 =	simm.s32 @!p0 $0x1C01  }
0x79: {  	[timem:s3], [sflag:s2] =	dma.local @!p0 [hbm:s0], s1  }
0x7a: {  	s0 =	simm.s32 @!p0 $0x1  }
0x7b: {  	_ =	swait.ge @!p0 [sflag:s0], s1  }
0x7c: {  	s1 =	ssub.s32 @!p0 $0x0, s1;
	[sflag:s0] =	ssyncset.done @!p0 $0x0  }
0x7d: {  	[sflag:s0] =	ssyncadd.s32 @!p0 s1  }
0x7e: {  	[bflag:$0x3] =	sbarrier.arrive $0xFFFF  }
0x7f: {  	_ =	shalt  }

</sc_bundles>
